<compile_context>
chip_gen: v7x
topology: tpu7x:2x2x1
jax: 0.10.2.dev20260603
libtpu: 0.0.44.dev20260713+nightly
codegen_flags: <defaults>
</compile_context>

<pallas_src>
import functools

import jax
import jax.numpy as jnp
from jax.experimental import pallas as pl
from jax.experimental.pallas import tpu as pltpu
from jax.experimental.pallas import tpu_sc as plsc

NUM_LANGUAGES = 4
VOCAB = 100000
DIM = 512
BATCH = 4096
SEQ = 50


WINDOW = 128
HALF = WINDOW // 2
N_WIN = BATCH * SEQ // WINDOW


def _gather_rows(table_flat, idxp):
    mesh = plsc.VectorSubcoreMesh(core_axis_name="c", subcore_axis_name="s")

    @functools.partial(
        pl.kernel,
        out_type=jax.ShapeDtypeStruct((BATCH * SEQ, DIM), jnp.float32),
        mesh=mesh,
    )
    def k(table_hbm, idx_hbm, out_hbm):
        def body(idx_vmem, out_vmem):
            j = pl.program_id(1)
            idx_s = idx_vmem.at[0, 0, pl.ds(j * HALF, HALF)]
            pltpu.sync_copy(table_hbm.at[idx_s], out_vmem)

        pltpu.emit_pipeline(
            body,
            grid=(N_WIN, 2),
            in_specs=[pl.BlockSpec((1, 1, WINDOW), index_map=lambda i, j: (i, 0, 0))],
            out_specs=[pl.BlockSpec((HALF, DIM), index_map=lambda i, j: (2 * i + j, 0))],
            core_axis_name=("c", "s"),
            dimension_semantics=(pltpu.PARALLEL, pltpu.ARBITRARY),
        )(idx_hbm, out_hbm)

    return k(table_flat, idxp)


def kernel(tables, tokens, language_id):
    table_flat = tables.reshape(NUM_LANGUAGES * VOCAB, DIM)
    tok_off = tokens.astype(jnp.int32) + jnp.int32(language_id) * VOCAB
    idxp = tok_off.T.reshape(N_WIN, 1, WINDOW)
    rows = _gather_rows(table_flat, idxp)
    shared_embedding = rows.reshape(SEQ, BATCH, DIM).transpose(1, 0, 2)
    language_prediction = jax.random.normal(
        jax.random.key(42), (1, 10), dtype=jnp.float32
    )
    return (shared_embedding, language_prediction)

# --- scband reference (transcript-rebuilt; emitter-appended) ---
"""Pipeline reference for scband-cross-lingual-embeddings-29841432773455 (READ-ONLY COPY).

The authoritative reference and input builder live on the scoring server;
editing this copy changes nothing except your own understanding.
"""

import jax, jax.numpy as jnp
import numpy as np

NUM_LANGUAGES = 4
VOCAB = 100000
DIM = 512
BATCH = 4096
SEQ = 50

def setup_inputs(seed: int = 0) -> dict:
    key = jax.random.key(seed)
    k_tok, k_tab = jax.random.split(key)
    tokens = jax.random.randint(k_tok, (BATCH, SEQ), 0, VOCAB, dtype=jnp.int32)
    # learned parameters: one embedding table per language, stacked
    tables = jax.random.normal(k_tab, (NUM_LANGUAGES, VOCAB, DIM), dtype=jnp.float32) * 0.02
    language_id = 1
    return {"tables": tables, "tokens": tokens, "language_id": language_id}

def reference(tables, tokens, language_id):
    # self.language_embeddings[language_id](tokens)
    table = tables[language_id]
    shared_embedding = jnp.take(table, tokens, axis=0)
    # torch.randn(1, 10) -> deterministic jax equivalent
    language_prediction = jax.random.normal(jax.random.key(42), (1, 10), dtype=jnp.float32)
    return (shared_embedding, language_prediction)

if __name__ == "__main__":
    import jax
    _d = setup_inputs()
    print(jax.jit(kernel)(*tuple(_d.values())))

</pallas_src>

<mosaic_0001>
#map = affine_map<(d0, d1) -> (0, 0)>
#map1 = affine_map<(d0, d1) -> (0, 0, 0)>
module attributes {stable_mosaic.version = 14 : i64} {
  func.func @k(%arg0: i32, %arg1: i32, %arg2: memref<400000x512xf32, #tpu.memory_space<hbm>>, %arg3: memref<1600x1x128xi32, #tpu.memory_space<hbm>>, %arg4: memref<204800x512xf32, #tpu.memory_space<hbm>>) attributes {dimension_semantics = [#tpu.dimension_semantics<core_parallel>, #tpu.dimension_semantics<subcore_parallel>], iteration_bounds = array<i64: 2, 16>, scalar_prefetch = 0 : i64, scratch_operands = 0 : i64, tpu.core_type = #tpu.core_type<sc_vector_subcore>, window_params = [{transform_indices = #map}, {transform_indices = #map1}, {transform_indices = #map}]} {
    %mul3A = arith.constant 1 : i32
    %mul3A_0 = arith.muli %arg1, %mul3A : i32
    %add3A = arith.constant 0 : i32
    %add3A_1 = arith.addi %add3A, %mul3A_0 : i32
    %mul3A_2 = arith.constant 16 : i32
    %mul3A_3 = arith.muli %arg0, %mul3A_2 : i32
    %add3A_4 = arith.addi %add3A_1, %mul3A_3 : i32
    %mul3A_5 = arith.constant 50 : i32
    %mul3A_6 = arith.muli %add3A_4, %mul3A_5 : i32
    "tpu.region"() ({
      %run_scoped3A = memref.alloca() : memref<2x1x1x128xi32, #tpu.memory_space<vmem>>
      %run_scoped3A_7 = tpu.sem_alloc : memref<2x!tpu.dma_semaphore, #tpu.memory_space<semaphore_mem>>
      %run_scoped3A_8 = memref.alloca() : memref<2x64x512xf32, #tpu.memory_space<vmem>>
      %run_scoped3A_9 = tpu.sem_alloc : memref<2x!tpu.dma_semaphore, #tpu.memory_space<semaphore_mem>>
      %add3A_10 = arith.constant 0 : i32
      %add3A_11 = arith.addi %add3A_10, %mul3A_6 : i32
      %select_n3A = arith.constant true
      %select_n3A_12 = arith.constant 0 : i32
      %select_n3A_13 = arith.constant -1 : i32
      %select_n3A_14 = arith.select %select_n3A, %select_n3A_13, %select_n3A_12 : i32
      %eq3A = arith.constant -1 : i32
      %eq3A_15 = arith.cmpi eq, %select_n3A_14, %eq3A : i32
      %select_n3A_16 = arith.constant 1 : i32
      %select_n3A_17 = arith.select %eq3A_15, %select_n3A_16, %select_n3A_14 : i32
      %select_n3A_18 = arith.constant 0 : i32
      %select_n3A_19 = arith.constant -1 : i32
      %select_n3A_20 = arith.select %eq3A_15, %select_n3A_19, %select_n3A_18 : i32
      %eq3A_21 = arith.constant -1 : i32
      %eq3A_22 = arith.cmpi eq, %select_n3A_20, %eq3A_21 : i32
      %select_n3A_23 = arith.constant 49 : i32
      %select_n3A_24 = arith.select %eq3A_22, %select_n3A_23, %select_n3A_20 : i32
      %add3A_25 = arith.addi %select_n3A_24, %mul3A_6 : i32
      %add3A_26 = arith.constant 0 : i32
      %add3A_27 = arith.addi %select_n3A_17, %add3A_26 : i32
      %select_n3A_28 = arith.constant true
      %select_n3A_29 = arith.constant 0 : i32
      %select_n3A_30 = arith.constant 1 : i32
      %select_n3A_31 = arith.select %select_n3A_28, %select_n3A_30, %select_n3A_29 : i32
      %eq3A_32 = arith.constant 2 : i32
      %eq3A_33 = arith.cmpi eq, %select_n3A_31, %eq3A_32 : i32
      %select_n3A_34 = arith.constant 0 : i32
      %select_n3A_35 = arith.select %eq3A_33, %select_n3A_34, %select_n3A_31 : i32
      %select_n3A_36 = arith.constant 0 : i32
      %select_n3A_37 = arith.constant 1 : i32
      %select_n3A_38 = arith.select %eq3A_33, %select_n3A_37, %select_n3A_36 : i32
      %eq3A_39 = arith.constant 50 : i32
      %eq3A_40 = arith.cmpi eq, %select_n3A_38, %eq3A_39 : i32
      %select_n3A_41 = arith.constant 0 : i32
      %select_n3A_42 = arith.select %eq3A_40, %select_n3A_41, %select_n3A_38 : i32
      %add3A_43 = arith.addi %select_n3A_42, %mul3A_6 : i32
      %add3A_44 = arith.constant 0 : i32
      %add3A_45 = arith.addi %select_n3A_35, %add3A_44 : i32
      %add3A_46 = arith.constant 1 : i32
      %add3A_47 = arith.addi %select_n3A_35, %add3A_46 : i32
      %select_n3A_48 = arith.constant true
      %select_n3A_49 = arith.select %select_n3A_48, %add3A_47, %select_n3A_35 : i32
      %eq3A_50 = arith.constant 2 : i32
      %eq3A_51 = arith.cmpi eq, %select_n3A_49, %eq3A_50 : i32
      %select_n3A_52 = arith.constant 0 : i32
      %select_n3A_53 = arith.select %eq3A_51, %select_n3A_52, %select_n3A_49 : i32
      %add3A_54 = arith.constant 1 : i32
      %add3A_55 = arith.addi %select_n3A_42, %add3A_54 : i32
      %select_n3A_56 = arith.select %eq3A_51, %add3A_55, %select_n3A_42 : i32
      %eq3A_57 = arith.constant 50 : i32
      %eq3A_58 = arith.cmpi eq, %select_n3A_56, %eq3A_57 : i32
      %select_n3A_59 = arith.constant 0 : i32
      %select_n3A_60 = arith.select %eq3A_58, %select_n3A_59, %select_n3A_56 : i32
      %add3A_61 = arith.addi %select_n3A_60, %mul3A_6 : i32
      %add3A_62 = arith.constant 0 : i32
      %add3A_63 = arith.addi %select_n3A_53, %add3A_62 : i32
      "tpu.trace_start"() <{level = 10 : i32, message = "ep_initialize_0"}> : () -> ()
      %rem3A = arith.constant 0 : i32
      %rem3A_64 = arith.constant 2 : i32
      %rem3A_65 = arith.remui %rem3A, %rem3A_64 : i32
      %mul3A_66 = arith.constant 1 : i32
      %mul3A_67 = arith.muli %mul3A_66, %add3A_11 : i32
      %dma_start3A = arith.constant 0 : i32
      %dma_start3A_68 = arith.constant 0 : i32
      %dma_start3A_69 = arith.constant 0 : i32
      %dma_start3A_70 = tpu.memref_slice %run_scoped3A[%rem3A_65, %dma_start3A, %dma_start3A_68, %dma_start3A_69] : memref<2x1x1x128xi32, #tpu.memory_space<vmem>> -> memref<1x1x1x128xi32, #tpu.memory_space<vmem>>
      %dma_start3A_71 = tpu.memref_squeeze %dma_start3A_70 : memref<1x1x1x128xi32, #tpu.memory_space<vmem>> -> memref<1x1x128xi32, #tpu.memory_space<vmem>>
      %dma_start3A_72 = arith.constant 0 : i32
      %dma_start3A_73 = arith.constant 0 : i32
      %dma_start3A_74 = tpu.memref_slice %arg3[%mul3A_67, %dma_start3A_72, %dma_start3A_73] : memref<1600x1x128xi32, #tpu.memory_space<hbm>> -> memref<1x1x128xi32, #tpu.memory_space<hbm>>
      %dma_start3A_75 = tpu.memref_slice %run_scoped3A_7[%rem3A_65] : memref<2x!tpu.dma_semaphore, #tpu.memory_space<semaphore_mem>> -> memref<1x!tpu.dma_semaphore, #tpu.memory_space<semaphore_mem>>
      %dma_start3A_76 = tpu.memref_squeeze %dma_start3A_75 : memref<1x!tpu.dma_semaphore, #tpu.memory_space<semaphore_mem>> -> memref<!tpu.dma_semaphore, #tpu.memory_space<semaphore_mem>>
      %dma_start3A_77 = arith.constant 0 : i32
      %dma_start3A_78 = arith.constant 0 : i32
      %dma_start3A_79 = arith.constant 0 : i32
      %dma_start3A_80 = tpu.memref_slice %run_scoped3A[%rem3A_65, %dma_start3A_77, %dma_start3A_78, %dma_start3A_79] : memref<2x1x1x128xi32, #tpu.memory_space<vmem>> -> memref<1x1x1x128xi32, #tpu.memory_space<vmem>>
      %dma_start3A_81 = tpu.memref_squeeze %dma_start3A_80 : memref<1x1x1x128xi32, #tpu.memory_space<vmem>> -> memref<1x1x128xi32, #tpu.memory_space<vmem>>
      %dma_start3A_82 = arith.constant 0 : i32
      %dma_start3A_83 = arith.constant 0 : i32
      %dma_start3A_84 = tpu.memref_slice %arg3[%mul3A_67, %dma_start3A_82, %dma_start3A_83] : memref<1600x1x128xi32, #tpu.memory_space<hbm>> -> memref<1x1x128xi32, #tpu.memory_space<hbm>>
      tpu.enqueue_dma source(%dma_start3A_84 : memref<1x1x128xi32, #tpu.memory_space<hbm>>) target(%dma_start3A_81 : memref<1x1x128xi32, #tpu.memory_space<vmem>>) target_semaphore(%dma_start3A_76 : memref<!tpu.dma_semaphore, #tpu.memory_space<semaphore_mem>>)
      %add3A_85 = arith.constant 0 : i32
      %add3A_86 = arith.constant 1 : i32
      %add3A_87 = arith.addi %add3A_85, %add3A_86 : i32
      %select_n3A_88 = arith.constant true
      %select_n3A_89 = arith.constant 0 : i32
      %select_n3A_90 = arith.select %select_n3A_88, %add3A_87, %select_n3A_89 : i32
      "tpu.trace_stop"() : () -> ()
      %scan3A = arith.constant 0 : i32
      %scan3A_91 = arith.constant 0 : i32
      %scan3A_92 = arith.constant 0 : i32
      %scan3A_93 = arith.constant 0 : i32
      %scan3A_94 = arith.constant 0 : i32
      %scan3A_95 = arith.constant 0 : i32
      %scan3A_96 = arith.constant 100 : i32
      %scan3A_97 = arith.addi %scan3A_95, %scan3A_96 : i32
      %scan3A_98 = arith.constant 1 : i32
      %scan3A_99:6 = scf.for %scan3A_192 = %scan3A_95 to %scan3A_97 step %scan3A_98 iter_args(%scan3A_193 = %select_n3A_90, %scan3A_194 = %scan3A, %scan3A_195 = %scan3A_91, %scan3A_196 = %scan3A_92, %scan3A_197 = %scan3A_93, %scan3A_198 = %scan3A_94) -> (i32, i32, i32, i32, i32, i32)  : i32 {
        %eq3A_199 = arith.constant 0 : i32
        %eq3A_200 = arith.cmpi eq, %scan3A_192, %eq3A_199 : i32
        %eq3A_201 = arith.constant 99 : i32
        %eq3A_202 = arith.cmpi eq, %scan3A_192, %eq3A_201 : i32
        %add3A_203 = arith.addi %scan3A_197, %mul3A_6 : i32
        %add3A_204 = arith.constant 0 : i32
        %add3A_205 = arith.addi %scan3A_198, %add3A_204 : i32
        %sub3A_206 = arith.constant 1 : i32
        %sub3A_207 = arith.subi %scan3A_198, %sub3A_206 : i32
        %select_n3A_208 = arith.constant true
        %select_n3A_209 = arith.select %select_n3A_208, %sub3A_207, %scan3A_198 : i32
        %eq3A_210 = arith.constant -1 : i32
        %eq3A_211 = arith.cmpi eq, %select_n3A_209, %eq3A_210 : i32
        %select_n3A_212 = arith.constant 1 : i32
        %select_n3A_213 = arith.select %eq3A_211, %select_n3A_212, %select_n3A_209 : i32
        %sub3A_214 = arith.constant 1 : i32
        %sub3A_215 = arith.subi %scan3A_197, %sub3A_214 : i32
        %select_n3A_216 = arith.select %eq3A_211, %sub3A_215, %scan3A_197 : i32
        %eq3A_217 = arith.constant -1 : i32
        %eq3A_218 = arith.cmpi eq, %select_n3A_216, %eq3A_217 : i32
        %select_n3A_219 = arith.constant 49 : i32
        %select_n3A_220 = arith.select %eq3A_218, %select_n3A_219, %select_n3A_216 : i32
        %add3A_221 = arith.addi %select_n3A_220, %mul3A_6 : i32
        %add3A_222 = arith.constant 0 : i32
        %add3A_223 = arith.addi %select_n3A_213, %add3A_222 : i32
        %add3A_224 = arith.constant 1 : i32
        %add3A_225 = arith.addi %scan3A_198, %add3A_224 : i32
        %select_n3A_226 = arith.constant true
        %select_n3A_227 = arith.select %select_n3A_226, %add3A_225, %scan3A_198 : i32
        %eq3A_228 = arith.constant 2 : i32
        %eq3A_229 = arith.cmpi eq, %select_n3A_227, %eq3A_228 : i32
        %select_n3A_230 = arith.constant 0 : i32
        %select_n3A_231 = arith.select %eq3A_229, %select_n3A_230, %select_n3A_227 : i32
        %add3A_232 = arith.constant 1 : i32
        %add3A_233 = arith.addi %scan3A_197, %add3A_232 : i32
        %select_n3A_234 = arith.select %eq3A_229, %add3A_233, %scan3A_197 : i32
        %eq3A_235 = arith.constant 50 : i32
        %eq3A_236 = arith.cmpi eq, %select_n3A_234, %eq3A_235 : i32
        %select_n3A_237 = arith.constant 0 : i32
        %select_n3A_238 = arith.select %eq3A_236, %select_n3A_237, %select_n3A_234 : i32
        %add3A_239 = arith.addi %select_n3A_238, %mul3A_6 : i32
        %add3A_240 = arith.constant 0 : i32
        %add3A_241 = arith.addi %select_n3A_231, %add3A_240 : i32
        %add3A_242 = arith.constant 1 : i32
        %add3A_243 = arith.addi %select_n3A_231, %add3A_242 : i32
        %select_n3A_244 = arith.constant true
        %select_n3A_245 = arith.select %select_n3A_244, %add3A_243, %select_n3A_231 : i32
        %eq3A_246 = arith.constant 2 : i32
        %eq3A_247 = arith.cmpi eq, %select_n3A_245, %eq3A_246 : i32
        %select_n3A_248 = arith.constant 0 : i32
        %select_n3A_249 = arith.select %eq3A_247, %select_n3A_248, %select_n3A_245 : i32
        %add3A_250 = arith.constant 1 : i32
        %add3A_251 = arith.addi %select_n3A_238, %add3A_250 : i32
        %select_n3A_252 = arith.select %eq3A_247, %add3A_251, %select_n3A_238 : i32
        %eq3A_253 = arith.constant 50 : i32
        %eq3A_254 = arith.cmpi eq, %select_n3A_252, %eq3A_253 : i32
        %select_n3A_255 = arith.constant 0 : i32
        %select_n3A_256 = arith.select %eq3A_254, %select_n3A_255, %select_n3A_252 : i32
        %add3A_257 = arith.addi %select_n3A_256, %mul3A_6 : i32
        %add3A_258 = arith.constant 0 : i32
        %add3A_259 = arith.addi %select_n3A_249, %add3A_258 : i32
        %ne3A = arith.cmpi ne, %add3A_203, %add3A_239 : i32
        %or3A = arith.constant false
        %or3A_260 = arith.ori %or3A, %ne3A : i1
        %or3A_261 = arith.constant false
        %or3A_262 = arith.ori %or3A_260, %or3A_261 : i1
        %or3A_263 = arith.constant false
        %or3A_264 = arith.ori %or3A_262, %or3A_263 : i1
        %ge3A = arith.constant 99 : i32
        %ge3A_265 = arith.cmpi sge, %scan3A_192, %ge3A : i32
        %not3A = arith.constant true
        %not3A_266 = arith.xori %ge3A_265, %not3A : i1
        %and3A = arith.andi %or3A_264, %not3A_266 : i1
        %convert_element_type3A = arith.extui %and3A : i1 to i32
        %cond3A = arith.constant 0 : i32
        %cond3A_267 = arith.cmpi ne, %convert_element_type3A, %cond3A : i32
        scf.if %cond3A_267 {
          "tpu.trace_start"() <{level = 10 : i32, message = "ep_copy_in"}> : () -> ()
          %rem3A_419 = arith.constant 2 : i32
          %rem3A_420 = arith.remui %scan3A_193, %rem3A_419 : i32
          %mul3A_421 = arith.constant 1 : i32
          %mul3A_422 = arith.muli %mul3A_421, %add3A_239 : i32
          %dma_start3A_423 = arith.constant 0 : i32
          %dma_start3A_424 = arith.constant 0 : i32
          %dma_start3A_425 = arith.constant 0 : i32
          %dma_start3A_426 = tpu.memref_slice %run_scoped3A[%rem3A_420, %dma_start3A_423, %dma_start3A_424, %dma_start3A_425] : memref<2x1x1x128xi32, #tpu.memory_space<vmem>> -> memref<1x1x1x128xi32, #tpu.memory_space<vmem>>
          %dma_start3A_427 = tpu.memref_squeeze %dma_start3A_426 : memref<1x1x1x128xi32, #tpu.memory_space<vmem>> -> memref<1x1x128xi32, #tpu.memory_space<vmem>>
          %dma_start3A_428 = arith.constant 0 : i32
          %dma_start3A_429 = arith.constant 0 : i32
          %dma_start3A_430 = tpu.memref_slice %arg3[%mul3A_422, %dma_start3A_428, %dma_start3A_429] : memref<1600x1x128xi32, #tpu.memory_space<hbm>> -> memref<1x1x128xi32, #tpu.memory_space<hbm>>
          %dma_start3A_431 = tpu.memref_slice %run_scoped3A_7[%rem3A_420] : memref<2x!tpu.dma_semaphore, #tpu.memory_space<semaphore_mem>> -> memref<1x!tpu.dma_semaphore, #tpu.memory_space<semaphore_mem>>
          %dma_start3A_432 = tpu.memref_squeeze %dma_start3A_431 : memref<1x!tpu.dma_semaphore, #tpu.memory_space<semaphore_mem>> -> memref<!tpu.dma_semaphore, #tpu.memory_space<semaphore_mem>>
          %dma_start3A_433 = arith.constant 0 : i32
          %dma_start3A_434 = arith.constant 0 : i32
          %dma_start3A_435 = arith.constant 0 : i32
          %dma_start3A_436 = tpu.memref_slice %run_scoped3A[%rem3A_420, %dma_start3A_433, %dma_start3A_434, %dma_start3A_435] : memref<2x1x1x128xi32, #tpu.memory_space<vmem>> -> memref<1x1x1x128xi32, #tpu.memory_space<vmem>>
          %dma_start3A_437 = tpu.memref_squeeze %dma_start3A_436 : memref<1x1x1x128xi32, #tpu.memory_space<vmem>> -> memref<1x1x128xi32, #tpu.memory_space<vmem>>
          %dma_start3A_438 = arith.constant 0 : i32
          %dma_start3A_439 = arith.constant 0 : i32
          %dma_start3A_440 = tpu.memref_slice %arg3[%mul3A_422, %dma_start3A_438, %dma_start3A_439] : memref<1600x1x128xi32, #tpu.memory_space<hbm>> -> memref<1x1x128xi32, #tpu.memory_space<hbm>>
          tpu.enqueue_dma source(%dma_start3A_440 : memref<1x1x128xi32, #tpu.memory_space<hbm>>) target(%dma_start3A_437 : memref<1x1x128xi32, #tpu.memory_space<vmem>>) target_semaphore(%dma_start3A_432 : memref<!tpu.dma_semaphore, #tpu.memory_space<semaphore_mem>>)
          "tpu.trace_stop"() : () -> ()
        } else {
        }
        %and3A_268 = arith.constant true
        %and3A_269 = arith.andi %and3A, %and3A_268 : i1
        %add3A_270 = arith.constant 1 : i32
        %add3A_271 = arith.addi %scan3A_193, %add3A_270 : i32
        %select_n3A_272 = arith.select %and3A_269, %add3A_271, %scan3A_193 : i32
        %mul3A_273 = arith.constant 2 : i32
        %mul3A_274 = arith.muli %mul3A_273, %add3A_203 : i32
        %add3A_275 = arith.addi %mul3A_274, %add3A_205 : i32
        %mul3A_276 = arith.constant 2 : i32
        %mul3A_277 = arith.muli %mul3A_276, %add3A_239 : i32
        %add3A_278 = arith.addi %mul3A_277, %add3A_241 : i32
        %ne3A_279 = arith.cmpi ne, %add3A_275, %add3A_278 : i32
        %or3A_280 = arith.constant false
        %or3A_281 = arith.ori %or3A_280, %ne3A_279 : i1
        %or3A_282 = arith.constant false
        %or3A_283 = arith.ori %or3A_281, %or3A_282 : i1
        %ge3A_284 = arith.constant 99 : i32
        %ge3A_285 = arith.cmpi sge, %scan3A_192, %ge3A_284 : i32
        %not3A_286 = arith.constant true
        %not3A_287 = arith.xori %ge3A_285, %not3A_286 : i1
        %and3A_288 = arith.andi %or3A_283, %not3A_287 : i1
        %ne3A_289 = arith.cmpi ne, %add3A_203, %add3A_221 : i32
        %or3A_290 = arith.constant false
        %or3A_291 = arith.ori %or3A_290, %ne3A_289 : i1
        %or3A_292 = arith.constant false
        %or3A_293 = arith.ori %or3A_291, %or3A_292 : i1
        %or3A_294 = arith.constant false
        %or3A_295 = arith.ori %or3A_293, %or3A_294 : i1
        %or3A_296 = arith.ori %or3A_295, %eq3A_200 : i1
        %convert_element_type3A_297 = arith.extui %or3A_296 : i1 to i32
        %cond3A_298 = arith.constant 0 : i32
        %cond3A_299 = arith.cmpi ne, %convert_element_type3A_297, %cond3A_298 : i32
        scf.if %cond3A_299 {
          "tpu.trace_start"() <{level = 10 : i32, message = "ep_wait_in"}> : () -> ()
          %mul3A_419 = arith.constant 1 : i32
          %mul3A_420 = arith.muli %mul3A_419, %add3A_203 : i32
          %rem3A_421 = arith.constant 2 : i32
          %rem3A_422 = arith.remui %scan3A_194, %rem3A_421 : i32
          %dma_wait3A_423 = arith.constant 0 : i32
          %dma_wait3A_424 = arith.constant 0 : i32
          %dma_wait3A_425 = arith.constant 0 : i32
          %dma_wait3A_426 = tpu.memref_slice %run_scoped3A[%rem3A_422, %dma_wait3A_423, %dma_wait3A_424, %dma_wait3A_425] : memref<2x1x1x128xi32, #tpu.memory_space<vmem>> -> memref<1x1x1x128xi32, #tpu.memory_space<vmem>>
          %dma_wait3A_427 = tpu.memref_squeeze %dma_wait3A_426 : memref<1x1x1x128xi32, #tpu.memory_space<vmem>> -> memref<1x1x128xi32, #tpu.memory_space<vmem>>
          %dma_wait3A_428 = arith.constant 0 : i32
          %dma_wait3A_429 = arith.constant 0 : i32
          %dma_wait3A_430 = tpu.memref_slice %arg3[%mul3A_420, %dma_wait3A_428, %dma_wait3A_429] : memref<1600x1x128xi32, #tpu.memory_space<hbm>> -> memref<1x1x128xi32, #tpu.memory_space<hbm>>
          %dma_wait3A_431 = tpu.memref_slice %run_scoped3A_7[%rem3A_422] : memref<2x!tpu.dma_semaphore, #tpu.memory_space<semaphore_mem>> -> memref<1x!tpu.dma_semaphore, #tpu.memory_space<semaphore_mem>>
          %dma_wait3A_432 = tpu.memref_squeeze %dma_wait3A_431 : memref<1x!tpu.dma_semaphore, #tpu.memory_space<semaphore_mem>> -> memref<!tpu.dma_semaphore, #tpu.memory_space<semaphore_mem>>
          %dma_wait3A_433 = arith.constant 0 : i32
          %dma_wait3A_434 = arith.constant 0 : i32
          %dma_wait3A_435 = arith.constant 0 : i32
          %dma_wait3A_436 = tpu.memref_slice %run_scoped3A[%rem3A_422, %dma_wait3A_433, %dma_wait3A_434, %dma_wait3A_435] : memref<2x1x1x128xi32, #tpu.memory_space<vmem>> -> memref<1x1x1x128xi32, #tpu.memory_space<vmem>>
          %dma_wait3A_437 = tpu.memref_squeeze %dma_wait3A_436 : memref<1x1x1x128xi32, #tpu.memory_space<vmem>> -> memref<1x1x128xi32, #tpu.memory_space<vmem>>
          %dma_wait3A_438 = arith.constant 0 : i32
          %dma_wait3A_439 = arith.constant 0 : i32
          %dma_wait3A_440 = tpu.memref_slice %arg3[%mul3A_420, %dma_wait3A_438, %dma_wait3A_439] : memref<1600x1x128xi32, #tpu.memory_space<hbm>> -> memref<1x1x128xi32, #tpu.memory_space<hbm>>
          tpu.wait_dma2 semaphore(%dma_wait3A_432 : memref<!tpu.dma_semaphore, #tpu.memory_space<semaphore_mem>>) src(%dma_wait3A_440 : memref<1x1x128xi32, #tpu.memory_space<hbm>>) dst(%dma_wait3A_437 : memref<1x1x128xi32, #tpu.memory_space<vmem>>)
          "tpu.trace_stop"() : () -> ()
        } else {
        }
        %mul3A_300 = arith.constant 2 : i32
        %mul3A_301 = arith.muli %mul3A_300, %add3A_203 : i32
        %add3A_302 = arith.addi %mul3A_301, %add3A_205 : i32
        %mul3A_303 = arith.constant 2 : i32
        %mul3A_304 = arith.muli %mul3A_303, %add3A_221 : i32
        %add3A_305 = arith.addi %mul3A_304, %add3A_223 : i32
        %ne3A_306 = arith.cmpi ne, %add3A_302, %add3A_305 : i32
        %or3A_307 = arith.constant false
        %or3A_308 = arith.ori %or3A_307, %ne3A_306 : i1
        %or3A_309 = arith.constant false
        %or3A_310 = arith.ori %or3A_308, %or3A_309 : i1
        %or3A_311 = arith.ori %or3A_310, %eq3A_200 : i1
        %convert_element_type3A_312 = arith.extui %or3A_311 : i1 to i32
        %cond3A_313 = arith.constant 0 : i32
        %cond3A_314 = arith.cmpi ne, %convert_element_type3A_312, %cond3A_313 : i32
        scf.if %cond3A_314 {
        } else {
        }
        %rem3A_315 = arith.constant 2 : i32
        %rem3A_316 = arith.remui %scan3A_194, %rem3A_315 : i32
        %rem3A_317 = arith.constant 2 : i32
        %rem3A_318 = arith.remui %scan3A_195, %rem3A_317 : i32
        "tpu.trace_start"() <{level = 10 : i32, message = "ep_run_kernel"}> : () -> ()
        %mul3A_319 = arith.constant 64 : i32
        %mul3A_320 = arith.muli %add3A_205, %mul3A_319 : i32
        %run_scoped3A_321 = arith.constant 0 : i32
        %run_scoped3A_322 = arith.constant 0 : i32
        "tpu.region"() ({
          %run_scoped3A_419 = tpu.sem_alloc : memref<!tpu.dma_semaphore, #tpu.memory_space<semaphore_mem>>
          %dma_start3A_420 = arith.constant 0 : i32
          %dma_start3A_421 = arith.constant 0 : i32
          %dma_start3A_422 = tpu.memref_slice %run_scoped3A_8[%rem3A_318, %dma_start3A_420, %dma_start3A_421] : memref<2x64x512xf32, #tpu.memory_space<vmem>> -> memref<1x64x512xf32, #tpu.memory_space<vmem>>
          %dma_start3A_423 = tpu.memref_squeeze %dma_start3A_422 : memref<1x64x512xf32, #tpu.memory_space<vmem>> -> memref<64x512xf32, #tpu.memory_space<vmem>>
          %dma_start3A_424 = arith.constant 0 : i32
          %dma_start3A_425 = arith.constant 0 : i32
          %dma_start3A_426 = arith.constant 0 : i32
          %dma_start3A_427 = tpu.memref_slice %run_scoped3A[%rem3A_316, %dma_start3A_424, %dma_start3A_425, %dma_start3A_426] : memref<2x1x1x128xi32, #tpu.memory_space<vmem>> -> memref<1x1x1x128xi32, #tpu.memory_space<vmem>>
          %dma_start3A_428 = tpu.memref_squeeze %dma_start3A_427 : memref<1x1x1x128xi32, #tpu.memory_space<vmem>> -> memref<1x1x128xi32, #tpu.memory_space<vmem>>
          %dma_start3A_429 = tpu.memref_slice %dma_start3A_428[%run_scoped3A_321, %run_scoped3A_322, %mul3A_320] : memref<1x1x128xi32, #tpu.memory_space<vmem>> -> memref<1x1x64xi32, #tpu.memory_space<vmem>>
          %dma_start3A_430 = tpu.memref_squeeze %dma_start3A_429 : memref<1x1x64xi32, #tpu.memory_space<vmem>> -> memref<64xi32, #tpu.memory_space<vmem>>
          %dma_start3A_431 = arith.constant 0 : i32
          %dma_start3A_432 = arith.constant 0 : i32
          %dma_start3A_433 = tpu.memref_slice %arg2[%dma_start3A_431, %dma_start3A_432] : memref<400000x512xf32, #tpu.memory_space<hbm>> -> memref<400000x512xf32, #tpu.memory_space<hbm>>
          tpu.enqueue_indirect_dma source(%dma_start3A_433 : memref<400000x512xf32, #tpu.memory_space<hbm>>) target(%dma_start3A_423 : memref<64x512xf32, #tpu.memory_space<vmem>>) offsets(%dma_start3A_430 : memref<64xi32, #tpu.memory_space<vmem>>) semaphore(%run_scoped3A_419 : memref<!tpu.dma_semaphore, #tpu.memory_space<semaphore_mem>>)
          %dma_wait3A_434 = arith.constant 0 : i32
          %dma_wait3A_435 = arith.constant 0 : i32
          %dma_wait3A_436 = tpu.memref_slice %run_scoped3A_8[%rem3A_318, %dma_wait3A_434, %dma_wait3A_435] : memref<2x64x512xf32, #tpu.memory_space<vmem>> -> memref<1x64x512xf32, #tpu.memory_space<vmem>>
          %dma_wait3A_437 = tpu.memref_squeeze %dma_wait3A_436 : memref<1x64x512xf32, #tpu.memory_space<vmem>> -> memref<64x512xf32, #tpu.memory_space<vmem>>
          %dma_wait3A_438 = arith.constant 0 : i32
          %dma_wait3A_439 = arith.constant 0 : i32
          %dma_wait3A_440 = arith.constant 0 : i32
          %dma_wait3A_441 = tpu.memref_slice %run_scoped3A[%rem3A_316, %dma_wait3A_438, %dma_wait3A_439, %dma_wait3A_440] : memref<2x1x1x128xi32, #tpu.memory_space<vmem>> -> memref<1x1x1x128xi32, #tpu.memory_space<vmem>>
          %dma_wait3A_442 = tpu.memref_squeeze %dma_wait3A_441 : memref<1x1x1x128xi32, #tpu.memory_space<vmem>> -> memref<1x1x128xi32, #tpu.memory_space<vmem>>
          %dma_wait3A_443 = tpu.memref_slice %dma_wait3A_442[%run_scoped3A_321, %run_scoped3A_322, %mul3A_320] : memref<1x1x128xi32, #tpu.memory_space<vmem>> -> memref<1x1x64xi32, #tpu.memory_space<vmem>>
          %dma_wait3A_444 = tpu.memref_squeeze %dma_wait3A_443 : memref<1x1x64xi32, #tpu.memory_space<vmem>> -> memref<64xi32, #tpu.memory_space<vmem>>
          %dma_wait3A_445 = arith.constant 0 : i32
          %dma_wait3A_446 = arith.constant 0 : i32
          %dma_wait3A_447 = tpu.memref_slice %arg2[%dma_wait3A_445, %dma_wait3A_446] : memref<400000x512xf32, #tpu.memory_space<hbm>> -> memref<400000x512xf32, #tpu.memory_space<hbm>>
          tpu.wait_indirect_dma semaphore(%run_scoped3A_419 : memref<!tpu.dma_semaphore, #tpu.memory_space<semaphore_mem>>) src(%dma_wait3A_447 : memref<400000x512xf32, #tpu.memory_space<hbm>>) dst(%dma_wait3A_437 : memref<64x512xf32, #tpu.memory_space<vmem>>)
          tpu.yield
        }) : () -> ()
        "tpu.trace_stop"() : () -> ()
        %ne3A_323 = arith.cmpi ne, %add3A_203, %add3A_239 : i32
        %or3A_324 = arith.constant false
        %or3A_325 = arith.ori %or3A_324, %ne3A_323 : i1
        %or3A_326 = arith.constant false
        %or3A_327 = arith.ori %or3A_325, %or3A_326 : i1
        %or3A_328 = arith.constant false
        %or3A_329 = arith.ori %or3A_327, %or3A_328 : i1
        %or3A_330 = arith.ori %or3A_329, %eq3A_202 : i1
        %convert_element_type3A_331 = arith.extui %or3A_330 : i1 to i32
        %cond3A_332 = arith.constant 0 : i32
        %cond3A_333 = arith.cmpi ne, %convert_element_type3A_331, %cond3A_332 : i32
        scf.if %cond3A_333 {
        } else {
        }
        %and3A_334 = arith.constant false
        %and3A_335 = arith.andi %or3A_330, %and3A_334 : i1
        %mul3A_336 = arith.constant 2 : i32
        %mul3A_337 = arith.muli %mul3A_336, %add3A_203 : i32
        %add3A_338 = arith.addi %mul3A_337, %add3A_205 : i32
        %mul3A_339 = arith.constant 2 : i32
        %mul3A_340 = arith.muli %mul3A_339, %add3A_239 : i32
        %add3A_341 = arith.addi %mul3A_340, %add3A_241 : i32
        %ne3A_342 = arith.cmpi ne, %add3A_338, %add3A_341 : i32
        %or3A_343 = arith.constant false
        %or3A_344 = arith.ori %or3A_343, %ne3A_342 : i1
        %or3A_345 = arith.constant false
        %or3A_346 = arith.ori %or3A_344, %or3A_345 : i1
        %or3A_347 = arith.ori %or3A_346, %eq3A_202 : i1
        %convert_element_type3A_348 = arith.extui %or3A_347 : i1 to i32
        %cond3A_349 = arith.constant 0 : i32
        %cond3A_350 = arith.cmpi ne, %convert_element_type3A_348, %cond3A_349 : i32
        scf.if %cond3A_350 {
          "tpu.trace_start"() <{level = 10 : i32, message = "ep_copy_out"}> : () -> ()
          %rem3A_419 = arith.constant 2 : i32
          %rem3A_420 = arith.remui %scan3A_195, %rem3A_419 : i32
          %mul3A_421 = arith.constant 2 : i32
          %mul3A_422 = arith.muli %mul3A_421, %add3A_203 : i32
          %add3A_423 = arith.addi %mul3A_422, %add3A_205 : i32
          %mul3A_424 = arith.constant 64 : i32
          %mul3A_425 = arith.muli %mul3A_424, %add3A_423 : i32
          %dma_start3A_426 = arith.constant 0 : i32
          %dma_start3A_427 = arith.constant 0 : i32
          %dma_start3A_428 = tpu.memref_slice %run_scoped3A_8[%rem3A_420, %dma_start3A_426, %dma_start3A_427] : memref<2x64x512xf32, #tpu.memory_space<vmem>> -> memref<1x64x512xf32, #tpu.memory_space<vmem>>
          %dma_start3A_429 = tpu.memref_squeeze %dma_start3A_428 : memref<1x64x512xf32, #tpu.memory_space<vmem>> -> memref<64x512xf32, #tpu.memory_space<vmem>>
          %dma_start3A_430 = arith.constant 0 : i32
          %dma_start3A_431 = tpu.memref_slice %arg4[%mul3A_425, %dma_start3A_430] : memref<204800x512xf32, #tpu.memory_space<hbm>> -> memref<64x512xf32, #tpu.memory_space<hbm>>
          %dma_start3A_432 = tpu.memref_slice %run_scoped3A_9[%rem3A_420] : memref<2x!tpu.dma_semaphore, #tpu.memory_space<semaphore_mem>> -> memref<1x!tpu.dma_semaphore, #tpu.memory_space<semaphore_mem>>
          %dma_start3A_433 = tpu.memref_squeeze %dma_start3A_432 : memref<1x!tpu.dma_semaphore, #tpu.memory_space<semaphore_mem>> -> memref<!tpu.dma_semaphore, #tpu.memory_space<semaphore_mem>>
          %dma_start3A_434 = arith.constant 0 : i32
          %dma_start3A_435 = tpu.memref_slice %arg4[%mul3A_425, %dma_start3A_434] : memref<204800x512xf32, #tpu.memory_space<hbm>> -> memref<64x512xf32, #tpu.memory_space<hbm>>
          %dma_start3A_436 = arith.constant 0 : i32
          %dma_start3A_437 = arith.constant 0 : i32
          %dma_start3A_438 = tpu.memref_slice %run_scoped3A_8[%rem3A_420, %dma_start3A_436, %dma_start3A_437] : memref<2x64x512xf32, #tpu.memory_space<vmem>> -> memref<1x64x512xf32, #tpu.memory_space<vmem>>
          %dma_start3A_439 = tpu.memref_squeeze %dma_start3A_438 : memref<1x64x512xf32, #tpu.memory_space<vmem>> -> memref<64x512xf32, #tpu.memory_space<vmem>>
          tpu.enqueue_dma source(%dma_start3A_439 : memref<64x512xf32, #tpu.memory_space<vmem>>) target(%dma_start3A_435 : memref<64x512xf32, #tpu.memory_space<hbm>>) target_semaphore(%dma_start3A_433 : memref<!tpu.dma_semaphore, #tpu.memory_space<semaphore_mem>>)
          "tpu.trace_stop"() : () -> ()
        } else {
        }
        %and3A_351 = arith.constant true
        %and3A_352 = arith.andi %or3A_347, %and3A_351 : i1
        %add3A_353 = arith.constant 1 : i32
        %add3A_354 = arith.addi %scan3A_195, %add3A_353 : i32
        %select_n3A_355 = arith.select %and3A_352, %add3A_354, %scan3A_195 : i32
        %ne3A_356 = arith.cmpi ne, %add3A_203, %add3A_221 : i32
        %or3A_357 = arith.constant false
        %or3A_358 = arith.ori %or3A_357, %ne3A_356 : i1
        %or3A_359 = arith.constant false
        %or3A_360 = arith.ori %or3A_358, %or3A_359 : i1
        %or3A_361 = arith.constant false
        %or3A_362 = arith.ori %or3A_360, %or3A_361 : i1
        %not3A_363 = arith.constant true
        %not3A_364 = arith.xori %eq3A_200, %not3A_363 : i1
        %and3A_365 = arith.andi %or3A_362, %not3A_364 : i1
        %convert_element_type3A_366 = arith.extui %and3A_365 : i1 to i32
        %cond3A_367 = arith.constant 0 : i32
        %cond3A_368 = arith.cmpi ne, %convert_element_type3A_366, %cond3A_367 : i32
        scf.if %cond3A_368 {
        } else {
        }
        %and3A_369 = arith.constant false
        %and3A_370 = arith.andi %and3A_365, %and3A_369 : i1
        %mul3A_371 = arith.constant 2 : i32
        %mul3A_372 = arith.muli %mul3A_371, %add3A_203 : i32
        %add3A_373 = arith.addi %mul3A_372, %add3A_205 : i32
        %mul3A_374 = arith.constant 2 : i32
        %mul3A_375 = arith.muli %mul3A_374, %add3A_221 : i32
        %add3A_376 = arith.addi %mul3A_375, %add3A_223 : i32
        %ne3A_377 = arith.cmpi ne, %add3A_373, %add3A_376 : i32
        %or3A_378 = arith.constant false
        %or3A_379 = arith.ori %or3A_378, %ne3A_377 : i1
        %or3A_380 = arith.constant false
        %or3A_381 = arith.ori %or3A_379, %or3A_380 : i1
        %not3A_382 = arith.constant true
        %not3A_383 = arith.xori %eq3A_200, %not3A_382 : i1
        %and3A_384 = arith.andi %or3A_381, %not3A_383 : i1
        %convert_element_type3A_385 = arith.extui %and3A_384 : i1 to i32
        %cond3A_386 = arith.constant 0 : i32
        %cond3A_387 = arith.cmpi ne, %convert_element_type3A_385, %cond3A_386 : i32
        scf.if %cond3A_387 {
          "tpu.trace_start"() <{level = 10 : i32, message = "ep_wait_out"}> : () -> ()
          %rem3A_419 = arith.constant 2 : i32
          %rem3A_420 = arith.remui %scan3A_196, %rem3A_419 : i32
          %mul3A_421 = arith.constant 2 : i32
          %mul3A_422 = arith.muli %mul3A_421, %add3A_221 : i32
          %add3A_423 = arith.addi %mul3A_422, %add3A_223 : i32
          %mul3A_424 = arith.constant 64 : i32
          %mul3A_425 = arith.muli %mul3A_424, %add3A_423 : i32
          %dma_wait3A_426 = arith.constant 0 : i32
          %dma_wait3A_427 = arith.constant 0 : i32
          %dma_wait3A_428 = tpu.memref_slice %run_scoped3A_8[%rem3A_420, %dma_wait3A_426, %dma_wait3A_427] : memref<2x64x512xf32, #tpu.memory_space<vmem>> -> memref<1x64x512xf32, #tpu.memory_space<vmem>>
          %dma_wait3A_429 = tpu.memref_squeeze %dma_wait3A_428 : memref<1x64x512xf32, #tpu.memory_space<vmem>> -> memref<64x512xf32, #tpu.memory_space<vmem>>
          %dma_wait3A_430 = arith.constant 0 : i32
          %dma_wait3A_431 = tpu.memref_slice %arg4[%mul3A_425, %dma_wait3A_430] : memref<204800x512xf32, #tpu.memory_space<hbm>> -> memref<64x512xf32, #tpu.memory_space<hbm>>
          %dma_wait3A_432 = tpu.memref_slice %run_scoped3A_9[%rem3A_420] : memref<2x!tpu.dma_semaphore, #tpu.memory_space<semaphore_mem>> -> memref<1x!tpu.dma_semaphore, #tpu.memory_space<semaphore_mem>>
          %dma_wait3A_433 = tpu.memref_squeeze %dma_wait3A_432 : memref<1x!tpu.dma_semaphore, #tpu.memory_space<semaphore_mem>> -> memref<!tpu.dma_semaphore, #tpu.memory_space<semaphore_mem>>
          %dma_wait3A_434 = arith.constant 0 : i32
          %dma_wait3A_435 = tpu.memref_slice %arg4[%mul3A_425, %dma_wait3A_434] : memref<204800x512xf32, #tpu.memory_space<hbm>> -> memref<64x512xf32, #tpu.memory_space<hbm>>
          %dma_wait3A_436 = arith.constant 0 : i32
          %dma_wait3A_437 = arith.constant 0 : i32
          %dma_wait3A_438 = tpu.memref_slice %run_scoped3A_8[%rem3A_420, %dma_wait3A_436, %dma_wait3A_437] : memref<2x64x512xf32, #tpu.memory_space<vmem>> -> memref<1x64x512xf32, #tpu.memory_space<vmem>>
          %dma_wait3A_439 = tpu.memref_squeeze %dma_wait3A_438 : memref<1x64x512xf32, #tpu.memory_space<vmem>> -> memref<64x512xf32, #tpu.memory_space<vmem>>
          tpu.wait_dma2 semaphore(%dma_wait3A_433 : memref<!tpu.dma_semaphore, #tpu.memory_space<semaphore_mem>>) src(%dma_wait3A_439 : memref<64x512xf32, #tpu.memory_space<vmem>>) dst(%dma_wait3A_435 : memref<64x512xf32, #tpu.memory_space<hbm>>)
          "tpu.trace_stop"() : () -> ()
        } else {
        }
        %and3A_388 = arith.constant true
        %and3A_389 = arith.andi %and3A_384, %and3A_388 : i1
        %add3A_390 = arith.constant 1 : i32
        %add3A_391 = arith.addi %scan3A_196, %add3A_390 : i32
        %select_n3A_392 = arith.select %and3A_389, %add3A_391, %scan3A_196 : i32
        %ne3A_393 = arith.cmpi ne, %add3A_203, %add3A_239 : i32
        %or3A_394 = arith.constant false
        %or3A_395 = arith.ori %or3A_394, %ne3A_393 : i1
        %or3A_396 = arith.constant false
        %or3A_397 = arith.ori %or3A_395, %or3A_396 : i1
        %or3A_398 = arith.constant false
        %or3A_399 = arith.ori %or3A_397, %or3A_398 : i1
        %or3A_400 = arith.ori %or3A_399, %eq3A_202 : i1
        %add3A_401 = arith.constant 1 : i32
        %add3A_402 = arith.addi %scan3A_194, %add3A_401 : i32
        %select_n3A_403 = arith.select %or3A_400, %add3A_402, %scan3A_194 : i32
        %add3A_404 = arith.constant 1 : i32
        %add3A_405 = arith.addi %scan3A_198, %add3A_404 : i32
        %select_n3A_406 = arith.constant true
        %select_n3A_407 = arith.select %select_n3A_406, %add3A_405, %scan3A_198 : i32
        %eq3A_408 = arith.constant 2 : i32
        %eq3A_409 = arith.cmpi eq, %select_n3A_407, %eq3A_408 : i32
        %select_n3A_410 = arith.constant 0 : i32
        %select_n3A_411 = arith.select %eq3A_409, %select_n3A_410, %select_n3A_407 : i32
        %add3A_412 = arith.constant 1 : i32
        %add3A_413 = arith.addi %scan3A_197, %add3A_412 : i32
        %select_n3A_414 = arith.select %eq3A_409, %add3A_413, %scan3A_197 : i32
        %eq3A_415 = arith.constant 50 : i32
        %eq3A_416 = arith.cmpi eq, %select_n3A_414, %eq3A_415 : i32
        %select_n3A_417 = arith.constant 0 : i32
        %select_n3A_418 = arith.select %eq3A_416, %select_n3A_417, %select_n3A_414 : i32
        scf.yield %select_n3A_272, %select_n3A_403, %select_n3A_355, %select_n3A_392, %select_n3A_418, %select_n3A_411 : i32, i32, i32, i32, i32, i32
      }
      %scan3A_100 = arith.constant 100 : i32
      %sub3A = arith.constant 1 : i32
      %sub3A_101 = arith.subi %scan3A_99#5, %sub3A : i32
      %select_n3A_102 = arith.constant true
      %select_n3A_103 = arith.select %select_n3A_102, %sub3A_101, %scan3A_99#5 : i32
      %eq3A_104 = arith.constant -1 : i32
      %eq3A_105 = arith.cmpi eq, %select_n3A_103, %eq3A_104 : i32
      %select_n3A_106 = arith.constant 1 : i32
      %select_n3A_107 = arith.select %eq3A_105, %select_n3A_106, %select_n3A_103 : i32
      %sub3A_108 = arith.constant 1 : i32
      %sub3A_109 = arith.subi %scan3A_99#4, %sub3A_108 : i32
      %select_n3A_110 = arith.select %eq3A_105, %sub3A_109, %scan3A_99#4 : i32
      %eq3A_111 = arith.constant -1 : i32
      %eq3A_112 = arith.cmpi eq, %select_n3A_110, %eq3A_111 : i32
      %select_n3A_113 = arith.constant 49 : i32
      %select_n3A_114 = arith.select %eq3A_112, %select_n3A_113, %select_n3A_110 : i32
      %add3A_115 = arith.addi %select_n3A_114, %mul3A_6 : i32
      %add3A_116 = arith.constant 0 : i32
      %add3A_117 = arith.addi %select_n3A_107, %add3A_116 : i32
      %sub3A_118 = arith.constant 1 : i32
      %sub3A_119 = arith.subi %select_n3A_107, %sub3A_118 : i32
      %select_n3A_120 = arith.constant true
      %select_n3A_121 = arith.select %select_n3A_120, %sub3A_119, %select_n3A_107 : i32
      %eq3A_122 = arith.constant -1 : i32
      %eq3A_123 = arith.cmpi eq, %select_n3A_121, %eq3A_122 : i32
      %select_n3A_124 = arith.constant 1 : i32
      %select_n3A_125 = arith.select %eq3A_123, %select_n3A_124, %select_n3A_121 : i32
      %sub3A_126 = arith.constant 1 : i32
      %sub3A_127 = arith.subi %select_n3A_114, %sub3A_126 : i32
      %select_n3A_128 = arith.select %eq3A_123, %sub3A_127, %select_n3A_114 : i32
      %eq3A_129 = arith.constant -1 : i32
      %eq3A_130 = arith.cmpi eq, %select_n3A_128, %eq3A_129 : i32
      %select_n3A_131 = arith.constant 49 : i32
      %select_n3A_132 = arith.select %eq3A_130, %select_n3A_131, %select_n3A_128 : i32
      %add3A_133 = arith.addi %select_n3A_132, %mul3A_6 : i32
      %add3A_134 = arith.constant 0 : i32
      %add3A_135 = arith.addi %select_n3A_125, %add3A_134 : i32
      %add3A_136 = arith.constant 1 : i32
      %add3A_137 = arith.addi %select_n3A_107, %add3A_136 : i32
      %select_n3A_138 = arith.constant true
      %select_n3A_139 = arith.select %select_n3A_138, %add3A_137, %select_n3A_107 : i32
      %eq3A_140 = arith.constant 2 : i32
      %eq3A_141 = arith.cmpi eq, %select_n3A_139, %eq3A_140 : i32
      %select_n3A_142 = arith.constant 0 : i32
      %select_n3A_143 = arith.select %eq3A_141, %select_n3A_142, %select_n3A_139 : i32
      %add3A_144 = arith.constant 1 : i32
      %add3A_145 = arith.addi %select_n3A_114, %add3A_144 : i32
      %select_n3A_146 = arith.select %eq3A_141, %add3A_145, %select_n3A_114 : i32
      %eq3A_147 = arith.constant 50 : i32
      %eq3A_148 = arith.cmpi eq, %select_n3A_146, %eq3A_147 : i32
      %select_n3A_149 = arith.constant 0 : i32
      %select_n3A_150 = arith.select %eq3A_148, %select_n3A_149, %select_n3A_146 : i32
      %add3A_151 = arith.addi %select_n3A_150, %mul3A_6 : i32
      %add3A_152 = arith.constant 0 : i32
      %add3A_153 = arith.addi %select_n3A_143, %add3A_152 : i32
      %add3A_154 = arith.constant 1 : i32
      %add3A_155 = arith.addi %select_n3A_143, %add3A_154 : i32
      %select_n3A_156 = arith.constant true
      %select_n3A_157 = arith.select %select_n3A_156, %add3A_155, %select_n3A_143 : i32
      %eq3A_158 = arith.constant 2 : i32
      %eq3A_159 = arith.cmpi eq, %select_n3A_157, %eq3A_158 : i32
      %select_n3A_160 = arith.constant 0 : i32
      %select_n3A_161 = arith.select %eq3A_159, %select_n3A_160, %select_n3A_157 : i32
      %add3A_162 = arith.constant 1 : i32
      %add3A_163 = arith.addi %select_n3A_150, %add3A_162 : i32
      %select_n3A_164 = arith.select %eq3A_159, %add3A_163, %select_n3A_150 : i32
      %eq3A_165 = arith.constant 50 : i32
      %eq3A_166 = arith.cmpi eq, %select_n3A_164, %eq3A_165 : i32
      %select_n3A_167 = arith.constant 0 : i32
      %select_n3A_168 = arith.select %eq3A_166, %select_n3A_167, %select_n3A_164 : i32
      %add3A_169 = arith.addi %select_n3A_168, %mul3A_6 : i32
      %add3A_170 = arith.constant 0 : i32
      %add3A_171 = arith.addi %select_n3A_161, %add3A_170 : i32
      "tpu.trace_start"() <{level = 10 : i32, message = "ep_finalize"}> : () -> ()
      %rem3A_172 = arith.constant 2 : i32
      %rem3A_173 = arith.remui %scan3A_99#3, %rem3A_172 : i32
      %mul3A_174 = arith.constant 2 : i32
      %mul3A_175 = arith.muli %mul3A_174, %add3A_115 : i32
      %add3A_176 = arith.addi %mul3A_175, %add3A_117 : i32
      %mul3A_177 = arith.constant 64 : i32
      %mul3A_178 = arith.muli %mul3A_177, %add3A_176 : i32
      %dma_wait3A = arith.constant 0 : i32
      %dma_wait3A_179 = arith.constant 0 : i32
      %dma_wait3A_180 = tpu.memref_slice %run_scoped3A_8[%rem3A_173, %dma_wait3A, %dma_wait3A_179] : memref<2x64x512xf32, #tpu.memory_space<vmem>> -> memref<1x64x512xf32, #tpu.memory_space<vmem>>
      %dma_wait3A_181 = tpu.memref_squeeze %dma_wait3A_180 : memref<1x64x512xf32, #tpu.memory_space<vmem>> -> memref<64x512xf32, #tpu.memory_space<vmem>>
      %dma_wait3A_182 = arith.constant 0 : i32
      %dma_wait3A_183 = tpu.memref_slice %arg4[%mul3A_178, %dma_wait3A_182] : memref<204800x512xf32, #tpu.memory_space<hbm>> -> memref<64x512xf32, #tpu.memory_space<hbm>>
      %dma_wait3A_184 = tpu.memref_slice %run_scoped3A_9[%rem3A_173] : memref<2x!tpu.dma_semaphore, #tpu.memory_space<semaphore_mem>> -> memref<1x!tpu.dma_semaphore, #tpu.memory_space<semaphore_mem>>
      %dma_wait3A_185 = tpu.memref_squeeze %dma_wait3A_184 : memref<1x!tpu.dma_semaphore, #tpu.memory_space<semaphore_mem>> -> memref<!tpu.dma_semaphore, #tpu.memory_space<semaphore_mem>>
      %dma_wait3A_186 = arith.constant 0 : i32
      %dma_wait3A_187 = tpu.memref_slice %arg4[%mul3A_178, %dma_wait3A_186] : memref<204800x512xf32, #tpu.memory_space<hbm>> -> memref<64x512xf32, #tpu.memory_space<hbm>>
      %dma_wait3A_188 = arith.constant 0 : i32
      %dma_wait3A_189 = arith.constant 0 : i32
      %dma_wait3A_190 = tpu.memref_slice %run_scoped3A_8[%rem3A_173, %dma_wait3A_188, %dma_wait3A_189] : memref<2x64x512xf32, #tpu.memory_space<vmem>> -> memref<1x64x512xf32, #tpu.memory_space<vmem>>
      %dma_wait3A_191 = tpu.memref_squeeze %dma_wait3A_190 : memref<1x64x512xf32, #tpu.memory_space<vmem>> -> memref<64x512xf32, #tpu.memory_space<vmem>>
      tpu.wait_dma2 semaphore(%dma_wait3A_185 : memref<!tpu.dma_semaphore, #tpu.memory_space<semaphore_mem>>) src(%dma_wait3A_191 : memref<64x512xf32, #tpu.memory_space<vmem>>) dst(%dma_wait3A_187 : memref<64x512xf32, #tpu.memory_space<hbm>>)
      "tpu.trace_stop"() : () -> ()
      tpu.yield
    }) : () -> ()
    return
  }
}

</mosaic_0001>

<sc_bundles>
// kernel: kernel.3.cloned.1.call-start
scs
__scs_entry_jumppad:
0x0: {  	(pc) =	sbr.rel $0x88, $3  }
0x1: {  	(tag) =	ssettag $0x0;
	lr =	simm.s32 $0x1  }
0x2: {  	[smem:$0x3F9E] =	sst lr;
	_ =	strace $0xD0000000  }
0x3: {  	_ = 	snop  }
0x4: {  	_ = 	snop  }
0x5: {  	_ = 	snop  }
0x6: {  	_ = 	snop  }
0x7: {  	_ = 	snop  }
__scs_overlays_trampoline_lowered:
0x8: {  	[smem:$0x3FAD] =	sst s0  }
0x9: {  	[smem:$0x3FAE] =	sst s1  }
0xa: {  	[smem:$0x3FAF] =	sst s2  }
0xb: {  	[smem:$0x3FB0] =	sst s3  }
0xc: {  	[smem:$0x3FB1] =	sst s4  }
0xd: {  	[smem:$0x3FB2] =	sst s5  }
0xe: {  	[smem:$0x3FB3] =	sst s6  }
0xf: {  	[smem:$0x3FB4] =	sst s7  }
0x10: {  	[smem:$0x3FB5] =	sst s8  }
0x11: {  	[smem:$0x3FB6] =	sst s9;
	s0 =	simm.s32 @!p0 $0x0  }
0x12: {  	s1 =	sld [smem:$0x3F9C];
	s0 =	simm.s32 @p0 $0x1  }
0x13: {  	[smem:$0x3FB7] =	sst s0;
	s0 =	simm.s32 @!p1 $0x0  }
0x14: {  	s2 =	sld [smem:$0x3F9B];
	s0 =	simm.s32 @p1 $0x1  }
0x15: {  	[smem:$0x3FB8] =	sst s0;
	s0 =	simm.s32 @!p2 $0x0  }
0x16: {  	s3 =	sld [smem:$0x3FDB];
	s0 =	simm.s32 @p2 $0x1  }
0x17: {  	s4 =	simm.s32 $0x1BF5;
	[smem:$0x3FBA] =	sst s0  }
0x18: {  	s0 =	sld [smem:$0x3F9D];
	_ =	swait.ge [sflag:s4], $0x0  }
0x19: {  	s7 =	sld [smem:$0x3F9E]  }
0x1a: {  	s8 =	sadd.s32 $0xFFFFE003, lr  }
0x1b: {  	s9 =	sadd.s32 $0xFFFFFEF7, lr;
	s5 =	simm.s32 $0xFFFFFFFF;
	p2 =	slt.u32 s8, $0xFFFFF086  }
0x1c: {  	p1 =	slt.u32 s9, $0xF7A;
	s5 =	simm.s32 @!p2 $0x0  }
0x1d: {  	s5 =	simm.s32 @p1 $0x1;
	p0 =	seq.s32 s7, s2  }
0x1e: {  	s7 =	smul.u32 @!p0 $0xF7A, s2;
	p2 =	seq.s32 @!p0 s5, $0x0  }
0x1f: {  	s9 =	smul.u32 $0xF7A, s1;
	s8 =	simm.s32 @!p0 $0x1BF5;
	p2 =	por !p2, p0  }
0x20: {  	[sflag:s8] =	ssyncset.s32 @!p0 $0xFFFFF086;
	s6 =	sadd.s32 @!p0 s3, s7;
	s7 =	simm.s32 @!p0 $0x108  }
0x21: {  	s3 =	sadd.s32 s3, s9;
	s6 =	sadd.s32 @!p0 $0x88, s6;
	s7 =	simm.s32 @p2 $0x1082  }
0x22: {  	[simem:s7], [sflag:s8] =	dma.local @!p0 [hbm:s6], $0xF7A  }
0x23: {  	s9 =	sor.u32 $0xD0000000, s2;
	s6 =	simm.s32 $0x108;
	_ =	swait.ge @!p0 [sflag:s8], $0x0  }
0x24: {  	s3 =	sadd.s32 $0x88, s3;
	s6 =	simm.s32 @!p1 $0x1082;
	[sflag:s4] =	ssyncset.s32 $0xFFFFF086  }
0x25: {  	[simem:s6], [sflag:s4] =	dma.local [hbm:s3], $0xF7A  }
0x26: {  	[smem:$0x3F9E] =	sst s1;
	(tag) =	ssettag s2;
	_ =	strace s9  }
0x27: {  	s1 =	sld [smem:$0x3FAE]  }
0x28: {  	s2 =	sld [smem:$0x3FAF]  }
0x29: {  	s4 =	sld [smem:$0x3FB1]  }
0x2a: {  	p0 =	seq.s32 s5, $0x0;
	s5 =	sld [smem:$0x3FB2]  }
0x2b: {  	s6 =	sld [smem:$0x3FB3]  }
0x2c: {  	s7 =	sld [smem:$0x3FB4]  }
0x2d: {  	s3 =	simm.s32 $0x108;
	s8 =	sld [smem:$0x3FB5]  }
0x2e: {  	s3 =	simm.s32 @!p0 $0x1082;
	s9 =	sld [smem:$0x3FB6]  }
0x2f: {  	lr =	sadd.s32 s0, s3;
	s0 =	sld [smem:$0x3FAD]  }
0x30: {  	s3 =	sld [smem:$0x3FB0]  }
0x31: {  	[smem:$0x3FB9] =	sst s10  }
0x32: {  	s10 =	sld [smem:$0x3FB7];
	_ =	sdelay $0x3  }
0x33: {  	p0 =	seq.s32 s10, $0x1;
	s10 =	sld [smem:$0x3FB9];
	_ =	sdelay $0x3  }
0x34: {  	[smem:$0x3FB9] =	sst s10  }
0x35: {  	s10 =	sld [smem:$0x3FB8];
	_ =	sdelay $0x3  }
0x36: {  	p1 =	seq.s32 s10, $0x1;
	s10 =	sld [smem:$0x3FB9];
	_ =	sdelay $0x3  }
0x37: {  	[smem:$0x3FB9] =	sst s10  }
0x38: {  	s10 =	sld [smem:$0x3FBA]  }
0x39: {  	_ = 	snop;
	(pc) =	sbr.ind lr, $3  }
0x3a: {  	_ = 	snop  }
0x3b: {  	_ = 	snop  }
0x3c: {  	p2 =	seq.s32 s10, $0x1;
	s10 =	sld [smem:$0x3FB9]  }
0x3d: {  	_ =	shalt  }
0x3e: {  	_ =	shalt  }
0x3f: {  	_ =	shalt  }
0x40: {  	_ =	shalt  }
0x41: {  	_ =	shalt  }
0x42: {  	_ =	shalt  }
0x43: {  	_ =	shalt  }
0x44: {  	_ =	shalt  }
0x45: {  	_ =	shalt  }
0x46: {  	_ =	shalt  }
0x47: {  	_ =	shalt  }
0x48: {  	_ =	shalt  }
0x49: {  	_ =	shalt  }
0x4a: {  	_ =	shalt  }
0x4b: {  	_ =	shalt  }
0x4c: {  	_ =	shalt  }
0x4d: {  	_ =	shalt  }
0x4e: {  	_ =	shalt  }
0x4f: {  	_ =	shalt  }
0x50: {  	_ =	shalt  }
0x51: {  	_ =	shalt  }
0x52: {  	_ =	shalt  }
0x53: {  	_ =	shalt  }
0x54: {  	_ =	shalt  }
0x55: {  	_ =	shalt  }
0x56: {  	_ =	shalt  }
0x57: {  	_ =	shalt  }
0x58: {  	_ =	shalt  }
0x59: {  	_ =	shalt  }
0x5a: {  	_ =	shalt  }
0x5b: {  	_ =	shalt  }
0x5c: {  	_ =	shalt  }
0x5d: {  	_ =	shalt  }
0x5e: {  	_ =	shalt  }
0x5f: {  	_ =	shalt  }
0x60: {  	_ =	shalt  }
0x61: {  	_ =	shalt  }
0x62: {  	_ =	shalt  }
0x63: {  	_ =	shalt  }
0x64: {  	_ =	shalt  }
0x65: {  	_ =	shalt  }
0x66: {  	_ =	shalt  }
0x67: {  	_ =	shalt  }
0x68: {  	_ =	shalt  }
0x69: {  	_ =	shalt  }
0x6a: {  	_ =	shalt  }
0x6b: {  	_ =	shalt  }
0x6c: {  	_ =	shalt  }
0x6d: {  	_ =	shalt  }
0x6e: {  	_ =	shalt  }
0x6f: {  	_ =	shalt  }
0x70: {  	_ =	shalt  }
0x71: {  	_ =	shalt  }
0x72: {  	_ =	shalt  }
0x73: {  	_ =	shalt  }
0x74: {  	_ =	shalt  }
0x75: {  	_ =	shalt  }
0x76: {  	_ =	shalt  }
0x77: {  	_ =	shalt  }
0x78: {  	_ =	shalt  }
0x79: {  	_ =	shalt  }
0x7a: {  	_ =	shalt  }
0x7b: {  	_ =	shalt  }
0x7c: {  	_ =	shalt  }
0x7d: {  	_ =	shalt  }
0x7e: {  	_ =	shalt  }
0x7f: {  	_ =	shalt  }
0x80: {  	_ =	shalt  }
0x81: {  	_ =	shalt  }
0x82: {  	_ =	shalt  }
0x83: {  	_ =	shalt  }
0x84: {  	_ =	shalt  }
0x85: {  	_ =	shalt  }
0x86: {  	_ =	shalt  }
0x87: {  	_ =	shalt  }
.Lfunc_end0:
.L_simem_size_0:
called_computation_lowered:
.L_overlay_start_0:
0x88: {  	s2 =	sld [smem:$0x3FD9]  }
0x89: {  	s3 =	sld [smem:$0x3FFE];
	_ =	sdelay $0x1  }
0x8a: {  	s1 =	srdreg.scid  }
0x8b: {  	s0 =	sand.u32 $0x1, s1  }
0x8c: {  	s14 =	sshll.u32 s0, $0xA;
	s2 =	sadd.s32 s3, s2  }
0x8d: {  	s2 =	sadd.s32 s2, s14  }
0x8e: {  	[smem:$0x3FC5] =	sst s2  }
0x8f: {  	_ = 	snop  }
0x90: {  	s2 =	sld [smem:$0x3FD0];
	_ =	sdelay $0x2  }
0x91: {  	s4 =	simm.s32 $0xA;
	s5 =	simm.s32 $0x10;
	s15 =	sld [smem:$0x3FC9]  }
0x92: {  	[smem:s5], [sflag:s4] =	dma.local [hbm:s2], $0x1  }
0x93: {  	_ =	swait.eq [sflag:s4], $0x1  }
0x94: {  	[sflag:s4] =	ssyncset.done $0x0  }
0x95: {  	[sflag:s4] =	ssyncadd.s32 $0xFFFFFFFF  }
0x96: {  	s16 =	sld [smem:$0x10];
	(tm) =	ssettm $0x1  }
0x97: {  	s17 =	sld [smem:$0x3FFB];
	_ =	sdelay $0x3  }
0x98: {  	_ =	strace s17  }
0x99: {  	s4 =	sld [smem:$0x3FFC];
	_ =	sdelay $0x3  }
0x9a: {  	_ =	strace s4  }
0x9b: {  	s4 =	sld [smem:$0x3FFD];
	_ =	sdelay $0x3  }
0x9c: {  	_ =	strace s4  }
0x9d: {  	_ =	strace $0x8FFFFFFF  }
0x9e: {  	s18 =	sld [smem:$0x3FDB];
	_ =	sdelay $0x1  }
0x9f: {  	s19 =	simm.s32 $_scs_section_size  }
0xa0: {  	s6 =	simm.s32 $_size__tile_overlayer_lowered;
	s7 =	simm.s32 $_tile_overlayer_lowered  }
0xa1: {  	s22 =	simm.s32 $0x1BFF;
	s21 =	sshll.u32 s7, $0x1;
	s4 =	sadd.s32 s19, s18  }
0xa2: {  	s8 =	simm.s32 $0x0;
	s20 =	sshll.u32 s6, $0x1;
	s6 =	sadd.s32 s21, s4  }
0xa3: {  	[timem:s8], [sflag:s22] =	dma.local [hbm:s6], s20  }
0xa4: {  	_ =	swait.ge [sflag:s22], s20  }
0xa5: {  	s5 =	ssub.s32 $0x0, s20;
	[sflag:s22] =	ssyncset.done $0x0  }
0xa6: {  	[sflag:s22] =	ssyncadd.s32 s5;
	_ =	sdelay $0x1  }
0xa7: {  	s23 =	simm.s32 $0x1B8B  }
0xa8: {  	_ =	swait.ge [sflag:s23], $0x1  }
0xa9: {  	[sflag:s23] =	ssyncset.done $0x0  }
0xaa: {  	s25 =	simm.s32 $0x1B8E;
	s24 =	sld [smem:$0x3FFE];
	[sflag:s23] =	ssyncadd.s32 $0xFFFFFFFF  }
0xab: {  	s26 =	simm.s32 $execute0_lowered;
	[smem:$0x3FD2] =	sst s25  }
0xac: {  	s6 =	sshll.u32 s26, $0x1;
	_ =	strace $0x80000046;
	[dreg:$0x1] =	wrdreg $0xFFFFFFFF  }
0xad: {  	s28 =	simm.s32 $_size_execute0_lowered;
	s4 =	sadd.s32 s4, s6;
	[dreg:$0x0] =	wrdreg $0x0  }
0xae: {  	s6 =	sshll.u32 s28, $0x1;
	[dreg:$0x2] =	wrdreg s4  }
0xaf: {  	[dreg:$0x3] =	wrdreg s6  }
0xb0: {  	[dreg:$0x4] =	wrdreg $0xC0  }
0xb1: {  	_ =	task [dreg:s8], $0x5FFFF  }
0xb2: {  	[dreg:$0x1] =	wrdreg $0xFFFFFFFF  }
0xb3: {  	[dreg:$0x0] =	wrdreg $0x60  }
0xb4: {  	[dreg:$0x2] =	wrdreg s15  }
0xb5: {  	[dreg:$0x3] =	wrdreg s24  }
0xb6: {  	[dreg:$0x4] =	wrdreg s16  }
0xb7: {  	[dreg:$0x5] =	wrdreg $0x9  }
0xb8: {  	_ =	task.clear_ibuf [dreg:s8], $0x6FFFF;
	_ =	strace $0x90000046  }
0xb9: {  	s29 =	simm.s32 $0x9;
	_ =	strace $0x8000004F  }
0xba: {  	_ =	swait.ge [sflag:s29], $0x1  }
0xbb: {  	[sflag:s29] =	ssyncadd.s32 $0xFFFFFFFF  }
0xbc: {  	_ =	strace $0x9000004F  }
0xbd: {  	_ =	sfence  }
0xbe: {  	s30 =	sld [smem:$0x0];
	_ =	sdelay $0x2  }
0xbf: {  	s31 =	sshll.u32 s1, $0xD;
	s1 =	sshrl.u32 s1, $0x2  }
0xc0: {  	s3 =	sand.u32 $0x4000, s31;
	s1 =	sadd.s32 s1, s30  }
0xc1: {  	s0 =	sor.u32 s3, s0;
	s1 =	sshll.u32 s1, $0x11  }
0xc2: {  	s0 =	sor.u32 s1, s0  }
0xc3: {  	s0 =	sadd.s32 $0x8F2B, s0  }
0xc4: {  	[sflag:s0] =	ssyncadd.remote.s32 $0x1  }
0xc5: {  	_ =	sfence.sel $0xFFFF  }
0xc6: {  	[dreg:$0x0] =	wrdreg $0xFFFFFFFF;
	(pc) =	sbr.abs _section_cstart, $3  }
0xc7: {  	[dreg:$0x1] =	wrdreg $0xFFFFFFFF  }
0xc8: {  	_ =	task.clear_ibuf [dreg:s8], $0x2FFFF;
	_ =	strace $0x9FFFFFFF  }
0xc9: {  	(tm) =	ssettm $0x7FFFFFFF  }
tec
execute0_lowered:
.L_overlay_start_1:
0x0: {  	(tag) =	ssettag $0x1  }
0x1: {  	s1 =	rddreg [dreg:$0x0]  }
0x2: {  	s5 =	rddreg [dreg:$0x1];
	s0 =	srdreg.scid  }
0x3: {  	s3 =	rddreg [dreg:$0x2];
	s2 =	stileid.u32  }
0x4: {  	s4 =	simm.s32 $0x0;
	s6 =	sand.u32 $0x1, s0;
	s0 =	rddreg [dreg:$0x3]  }
0x5: {  	s11 =	simm.s32 $0x0;
	[smem:$0x7FF] =	sst s4;
	s7 =	sshll.u32 s6, $0x4  }
0x6: {  	s5 =	sadd.s32 $0x400, s5;
	s6 =	ssub.s32 $0x2, s6;
	s7 =	sor.u32 s2, s7  }
0x7: {  	v2 =	vlaneseq.u32;
	_ =	strace $0x80000047;
	s8 =	sshrl.u32 s6, $0x1;
	s9 =	smul.u32 $0x320, s7  }
0x8: {  	vm0 =	vmmov $0xffff;
	v1 =	vshrl.u32 v2, $0x3;
	s10 =	ssub.s32 s6, s8;
	s6 =	smul.u32 $0x32, s7;
	s8 =	sadd.s32 $0x100, s1  }
0x9: {  	v0 =	vand.u32 $0x7, v2;
	v2 =	vor.u32 $0x8, v2;
	v1 =	vmul.u32 $0x8, v1;
	s7 =	sadd.s32 s5, s9;
	s9 =	smax.u32 s10, $0x1;
	s10 =	simm.s32 $0x5  }
.LBB2_1:
0xa: {  	_ =	strace $0x80000048;
	s12 =	simm.s32 $0x64;
	s19 =	simm.s32 $0x0  }
0xb: {  	s20 =	simm.s32 $0x0;
	s13 =	simm.s32 $0x0;
	s14 =	simm.s32 $0x0  }
0xc: {  	[tilespmem:s4], [sflag:$0x1] =	stream.linear.gather [hbm4b:s7+s4], $0x80, $0x200038;
	[tilespmem:$0x10100] =	vst v63  }
0xd: {  	s15 =	simm.s32 $0x0;
	s16 =	simm.s32 $0x1;
	_ =	strace $0x90000048  }
.LBB2_2:
0xe: {  	s17 =	sadd.s32 $0x1, s19  }
0xf: {  	s18 =	simm.s32 $0x1;
	p2 =	seq.s32 s17, $0x2  }
0x10: {  	s18 =	simm.s32 @!p2 $0x0  }
0x11: {  	p3 =	seq.s32 s19, $0x0;
	s21 =	simm.s32 $0x1;
	s18 =	sadd.s32 s18, s20  }
0x12: {  	s21 =	simm.s32 @!p3 $0x0;
	p0 =	seq.s32 s18, $0x32  }
0x13: {  	s22 =	ssub.s32 s20, s21;
	s18 =	simm.s32 @p0 $0x0  }
0x14: {  	p1 =	sne.s32 s12, $0x1;
	p4 =	seq.s32 s22, $0xFFFFFFFF;
	p0 =	sne.s32 s20, s18  }
0x15: {  	s22 =	simm.s32 @p4 $0x31;
	p4 =	seq.s32 s12, $0x64;
	p1 =	por !p1, !p0  }
0x16: {  	p5 =	seq.s32 @!p4 s20, s22;
	s21 =	sadd.s32 s6, s18;
	p1 =	por !p1, !p1  }
0x17: {  	p4 =	por p4, !p5;
	s23 =	sand.u32 @p1 $0x1, s16;
	s24 =	sshll.u32 @p1 s21, $0x4  }
0x18: {  	_ =	strace @p1 $0x80000049;
	s26 =	simm.s32 @p1 $0x0;
	s24 =	sand.u32 @p1 $0x1FFFFFF0, s24  }
0x19: {  	s25 =	sshll.u32 @p1 s23, $0x7;
	s23 =	sadd.s32 @p1 $0x1, s23;
	s24 =	sadd.s32 @p1 s5, s24  }
0x1a: {  	[tilespmem:s25], [sflag:s23] =	stream.linear.gather @p1 [hbm4b:s24+s26], $0x80, $0x200038;
	[tilespmem:$0x10100] =	vst v63  }
0x1b: {  	s23 =	sand.u32 @p4 $0x1, s15;
	_ =	strace @p1 $0x90000049  }
0x1c: {  	s23 =	sadd.s32 @p4 $0x1, s23;
	_ =	strace @p4 $0x8000004A  }
0x1d: {  	_ =	swait.ge @p4 [sflag:s23], $0x80  }
0x1e: {  	[sflag:s23] =	ssyncset.done @p4 $0x0  }
0x1f: {  	s29 =	sshll.u32 s15, $0x7;
	s30 =	sshll.u32 s19, $0x8;
	[sflag:s23] =	ssyncadd.s32 @p4 $0xFFFFFF80  }
0x20: {  	s24 =	sshra.s32 s30, $0x2;
	s23 =	sand.u32 $0x80, s29;
	_ =	strace @p4 $0x9000004A  }
0x21: {  	s26 =	sadd.s32 s24, s23;
	_ =	strace $0x8000004B  }
0x22: {  	v3 =	vld [tilespmem:s26+$0x0];
	_ =	sdelay $0x4  }
0x23: {  	v4 =	vshll.u32 v3, $0x2  }
0x24: {  	v3 =	vand.u32 $0x7, v3;
	v4 =	vand.u32 $0xFFFFFFE0, v4  }
0x25: {  	v3 =	vor.u32 v3, v4  }
0x26: {  	v4 =	vperm.xlane v3, v0;
	_ =	sdelay $0x1  }
0x27: {  	v4 =	vadd.s32 v1, v4;
	_ =	sdelay $0x1  }
0x28: {  	s23 =	sand.u32 $0x1, s14;
	v3 =	vperm.xlane v3, v2  }
0x29: {  	s25 =	sshll.u32 s23, $0xF  }
0x2a: {  	s24 =	sor.u32 $0x100, s25;
	v3 =	vadd.s32 v1, v3  }
0x2b: {  	[tilespmem:s24], [sflag:$0x5] =	stream.indirect_vreg.gather [hbm4b:s1+s4], $0x80, v4, vm0, $0x2000b8;
	[tilespmem:$0x10100] =	vst v63  }
0x2c: {  	s28 =	sor.u32 $0x900, s25  }
0x2d: {  	[tilespmem:s28], [sflag:$0x5] =	stream.indirect_vreg.gather [hbm4b:s8+s4], $0x80, v4, vm0, $0x2000b8;
	[tilespmem:$0x10100] =	vst v63  }
0x2e: {  	s31 =	sor.u32 $0x1100, s25  }
0x2f: {  	[tilespmem:s31], [sflag:$0x5] =	stream.indirect_vreg.gather [hbm4b:s1+s4], $0x80, v3, vm0, $0x2000b8;
	[tilespmem:$0x10100] =	vst v63  }
0x30: {  	s29 =	sor.u32 $0x1900, s25  }
0x31: {  	[tilespmem:s29], [sflag:$0x5] =	stream.indirect_vreg.gather [hbm4b:s8+s4], $0x80, v3, vm0, $0x2000b8;
	[tilespmem:$0x10100] =	vst v63  }
0x32: {  	v3 =	vld [tilespmem:s26+$0x10];
	_ =	sdelay $0x4  }
0x33: {  	v61 =	vshll.u32 v3, $0x2  }
0x34: {  	v3 =	vand.u32 $0x7, v3;
	v4 =	vand.u32 $0xFFFFFFE0, v61  }
0x35: {  	v3 =	vor.u32 v3, v4  }
0x36: {  	v4 =	vperm.xlane v3, v0;
	_ =	sdelay $0x1  }
0x37: {  	v4 =	vadd.s32 v1, v4;
	_ =	sdelay $0x1  }
0x38: {  	v3 =	vperm.xlane v3, v2;
	_ =	sdelay $0x1  }
0x39: {  	s30 =	sor.u32 $0x2100, s25;
	v3 =	vadd.s32 v1, v3  }
0x3a: {  	[tilespmem:s30], [sflag:$0x5] =	stream.indirect_vreg.gather [hbm4b:s1+s4], $0x80, v4, vm0, $0x2000b8;
	[tilespmem:$0x10100] =	vst v63  }
0x3b: {  	s31 =	sor.u32 $0x2900, s25  }
0x3c: {  	[tilespmem:s31], [sflag:$0x5] =	stream.indirect_vreg.gather [hbm4b:s8+s4], $0x80, v4, vm0, $0x2000b8;
	[tilespmem:$0x10100] =	vst v63  }
0x3d: {  	s29 =	sor.u32 $0x3100, s25  }
0x3e: {  	[tilespmem:s29], [sflag:$0x5] =	stream.indirect_vreg.gather [hbm4b:s1+s4], $0x80, v3, vm0, $0x2000b8;
	[tilespmem:$0x10100] =	vst v63  }
0x3f: {  	s30 =	sor.u32 $0x3900, s25  }
0x40: {  	[tilespmem:s30], [sflag:$0x5] =	stream.indirect_vreg.gather [hbm4b:s8+s4], $0x80, v3, vm0, $0x2000b8;
	[tilespmem:$0x10100] =	vst v63  }
0x41: {  	v3 =	vld [tilespmem:s26+$0x20];
	_ =	sdelay $0x4  }
0x42: {  	v62 =	vshll.u32 v3, $0x2  }
0x43: {  	v3 =	vand.u32 $0x7, v3;
	v4 =	vand.u32 $0xFFFFFFE0, v62  }
0x44: {  	v3 =	vor.u32 v3, v4  }
0x45: {  	v4 =	vperm.xlane v3, v0;
	_ =	sdelay $0x1  }
0x46: {  	v4 =	vadd.s32 v1, v4;
	_ =	sdelay $0x1  }
0x47: {  	v3 =	vperm.xlane v3, v2;
	_ =	sdelay $0x1  }
0x48: {  	s31 =	sor.u32 $0x4100, s25;
	v3 =	vadd.s32 v1, v3  }
0x49: {  	[tilespmem:s31], [sflag:$0x5] =	stream.indirect_vreg.gather [hbm4b:s1+s4], $0x80, v4, vm0, $0x2000b8;
	[tilespmem:$0x10100] =	vst v63  }
0x4a: {  	s29 =	sor.u32 $0x4900, s25  }
0x4b: {  	[tilespmem:s29], [sflag:$0x5] =	stream.indirect_vreg.gather [hbm4b:s8+s4], $0x80, v4, vm0, $0x2000b8;
	[tilespmem:$0x10100] =	vst v63  }
0x4c: {  	s30 =	sor.u32 $0x5100, s25  }
0x4d: {  	[tilespmem:s30], [sflag:$0x5] =	stream.indirect_vreg.gather [hbm4b:s1+s4], $0x80, v3, vm0, $0x2000b8;
	[tilespmem:$0x10100] =	vst v63  }
0x4e: {  	s31 =	sor.u32 $0x5900, s25  }
0x4f: {  	[tilespmem:s31], [sflag:$0x5] =	stream.indirect_vreg.gather [hbm4b:s8+s4], $0x80, v3, vm0, $0x2000b8;
	[tilespmem:$0x10100] =	vst v63  }
0x50: {  	v3 =	vld [tilespmem:s26+$0x30];
	_ =	sdelay $0x4  }
0x51: {  	v63 =	vshll.u32 v3, $0x2  }
0x52: {  	v3 =	vand.u32 $0x7, v3;
	v4 =	vand.u32 $0xFFFFFFE0, v63  }
0x53: {  	v3 =	vor.u32 v3, v4  }
0x54: {  	v4 =	vperm.xlane v3, v0;
	_ =	sdelay $0x1  }
0x55: {  	v4 =	vadd.s32 v1, v4;
	_ =	sdelay $0x1  }
0x56: {  	p6 =	sne.s32 s12, $0x64;
	s17 =	simm.s32 @p2 $0x0;
	v3 =	vperm.xlane v3, v2  }
0x57: {  	p2 =	seq.s32 s12, $0x1;
	s12 =	sadd.s32 $0xFFFFFFFF, s12;
	s22 =	sadd.s32 s6, s22  }
0x58: {  	s21 =	sshll.u32 s21, $0x1;
	s29 =	sor.u32 $0x6100, s25;
	s30 =	sadd.s32 s6, s20;
	v3 =	vadd.s32 v1, v3  }
0x59: {  	[tilespmem:s29], [sflag:$0x5] =	stream.indirect_vreg.gather [hbm4b:s1+s4], $0x80, v4, vm0, $0x2000b8;
	[tilespmem:$0x10100] =	vst v63  }
0x5a: {  	s20 =	sshll.u32 s30, $0x1;
	s30 =	sadd.s32 s17, s21;
	s31 =	sor.u32 $0x6900, s25  }
0x5b: {  	[tilespmem:s31], [sflag:$0x5] =	stream.indirect_vreg.gather [hbm4b:s8+s4], $0x80, v4, vm0, $0x2000b8;
	[tilespmem:$0x10100] =	vst v63  }
0x5c: {  	s26 =	sadd.s32 $0xFFFFFFFF, s19;
	s19 =	sadd.s32 s19, s20;
	s29 =	sor.u32 $0x7100, s25  }
0x5d: {  	[tilespmem:s29], [sflag:$0x5] =	stream.indirect_vreg.gather [hbm4b:s1+s4], $0x80, v3, vm0, $0x2000b8;
	[tilespmem:$0x10100] =	vst v63  }
0x5e: {  	s26 =	simm.s32 @p3 $0x1;
	p4 =	sne.s32 s19, s30;
	s25 =	sor.u32 $0x7900, s25  }
0x5f: {  	[tilespmem:s25], [sflag:$0x5] =	stream.indirect_vreg.gather [hbm4b:s8+s4], $0x80, v3, vm0, $0x2000b8;
	[tilespmem:$0x10100] =	vst v63  }
0x60: {  	p3 =	por p2, p4;
	s31 =	sshll.u32 s22, $0x1;
	_ =	swait.ge [sflag:s10], $0x8000  }
0x61: {  	s21 =	sshll.u32 @p3 s19, $0xC;
	s20 =	sadd.s32 s26, s31;
	[sflag:s10] =	ssyncset.done $0x0  }
0x62: {  	p5 =	sne.s32 s19, s20;
	s19 =	sand.u32 @p3 $0x1FFFF000, s21;
	[sflag:s10] =	ssyncadd.s32 $0xFFFF8000  }
0x63: {  	s20 =	sadd.s32 @p3 $0x3, s23;
	s21 =	simm.s32 @p3 $0x0;
	_ =	strace $0x9000004B  }
0x64: {  	p4 =	por !p6, !p5;
	s19 =	sadd.s32 @p3 s3, s19;
	_ =	strace @p3 $0x8000004C  }
0x65: {  	[hbm4b:s19+s21] =	stream.linear.scatter @p3 [tilespmem:s24], [sflag:s20], $0x8000, $0x200038;
	[tilespmem:$0x10100] =	vst v63  }
0x66: {  	p0 =	por p2, p0;
	p4 =	por !p4, !p4;
	s20 =	simm.s32 $0x1  }
0x67: {  	s19 =	sand.u32 @p4 $0x1, s13;
	_ =	strace @p3 $0x9000004C;
	s20 =	simm.s32 @!p1 $0x0  }
0x68: {  	s19 =	sadd.s32 @p4 $0x3, s19;
	s16 =	sadd.s32 s20, s16;
	s20 =	simm.s32 $0x1  }
0x69: {  	_ =	strace @p4 $0x8000004D;
	s20 =	simm.s32 @!p0 $0x0;
	p0 =	sne.s32 s12, $0x0  }
.Ltmp0:
0x6a: {  	s21 =	simm.s32 $0x1;
	_ =	swait.ge @p4 [sflag:s19], $0x8000;
	(pc) =	sbr.rel @p0 .LBB2_2-.Ltmp0, $4  }
0x6b: {  	s21 =	simm.s32 @!p3 $0x0;
	[sflag:s19] =	ssyncset.done @p4 $0x0  }
0x6c: {  	s14 =	sadd.s32 s21, s14;
	[sflag:s19] =	ssyncadd.s32 @p4 $0xFFFF8000;
	s19 =	simm.s32 $0x1  }
0x6d: {  	s15 =	sadd.s32 s20, s15;
	s20 =	smov.u32 s18;
	s19 =	simm.s32 @!p4 $0x0  }
0x6e: {  	_ =	strace @p4 $0x9000004D;
	s13 =	sadd.s32 s19, s13;
	s19 =	smov.u32 s17  }
0x6f: {  	s11 =	sadd.s32 $0x1, s11  }
0x70: {  	s12 =	sand.u32 $0x1, s13;
	p0 =	sne.s32 s11, s9  }
.Ltmp1:
0x71: {  	_ =	strace $0x8000004E;
	s12 =	sadd.s32 $0x3, s12;
	(pc) =	sbr.rel @p0 .LBB2_1-.Ltmp1, $4  }
0x72: {  	_ =	swait.ge [sflag:s12], $0x8000  }
0x73: {  	[sflag:s12] =	ssyncset.done $0x0  }
0x74: {  	[sflag:s12] =	ssyncadd.s32 $0xFFFF8000  }
0x75: {  	_ =	strace $0x9000004E  }
0x76: {  	_ =	sfence.sel $0x180000  }
0x77: {  	[bflag:$0x0] =	sbarrier.arrive $0xFFFF  }
0x78: {  	p0 =	sne.s32 s2, $0x0;
	_ =	strace $0x90000047  }
0x79: {  	s0 =	sadd.s32 @!p0 $0x100000, s0;
	[bflag:$0x2] =	sbarrier.arrive $0xFFFF  }
0x7a: {  	[sflag:s0] =	ssyncadd.tile.s32 @!p0 $0x1;
	_ =	shalt  }
.Lfunc_end2:
_tile_overlayer_lowered:
.L_overlay_start_2:
0x7b: {  	(tag) =	ssettag $0x2  }
0x7c: {  	s0 =	rddreg [dreg:$0x0];
	s2 =	stileid.u32  }
0x7d: {  	s1 =	rddreg [dreg:$0x1];
	p0 =	sne.s32 s2, $0x0  }
0x7e: {  	s3 =	rddreg [dreg:$0x2];
	[bflag:$0x3] =	sbarrier.arrive $0xFFFF;
	s2 =	simm.s32 @!p0 $0x1C01  }
0x7f: {  	[timem:s3], [sflag:s2] =	dma.local @!p0 [hbm:s0], s1  }
0x80: {  	s0 =	simm.s32 @!p0 $0x1  }
0x81: {  	_ =	swait.ge @!p0 [sflag:s0], s1  }
0x82: {  	s1 =	ssub.s32 @!p0 $0x0, s1;
	[sflag:s0] =	ssyncset.done @!p0 $0x0  }
0x83: {  	[sflag:s0] =	ssyncadd.s32 @!p0 s1  }
0x84: {  	[bflag:$0x3] =	sbarrier.arrive $0xFFFF  }
0x85: {  	_ =	shalt  }

</sc_bundles>
